<compile_context>
chip_gen: v7x
topology: tpu7x:2x2x1
jax: 0.10.2.dev20260603
libtpu: 0.0.44.dev20260713+nightly
codegen_flags: <defaults>
</compile_context>

<pallas_src>
import functools

import jax
import jax.numpy as jnp
from jax import lax
from jax.experimental import pallas as pl
from jax.experimental.pallas import tpu as pltpu
from jax.experimental.pallas import tpu_sc as plsc

_NC = 2
_NS = 16
_L = 16
_NW = _NC * _NS
_K = 512


def _sc_hist_body(cp, chunk,
                  y_pred_hbm, y_true_hbm, counts_out, o_out,
                  yp_v, yt_v, cnt_rows, cnt_red, o_red):
    wid = lax.axis_index("s") * _NC + lax.axis_index("c")
    base = wid * chunk

    pltpu.sync_copy(y_pred_hbm.at[pl.ds(base, chunk)], yp_v)
    pltpu.sync_copy(y_true_hbm.at[pl.ds(base, chunk)], yt_v)

    zeros16 = jnp.zeros((_L,), jnp.float32)
    ones16 = jnp.ones((_L,), jnp.float32)
    lane = lax.iota(jnp.int32, _L)

    def zero_body(j, c):
        for r in range(_L):
            cnt_rows[r, pl.ds(j * _L, _L)] = zeros16
        return c
    lax.fori_loop(0, cp // _L, zero_body, 0)

    def hist_body(g, o_acc):
        yp = yp_v[pl.ds(g * _L, _L)]
        yt = yt_v[pl.ds(g * _L, _L)]
        d = yp - yt.astype(jnp.float32)
        plsc.addupdate_scatter(cnt_rows, [lane, yt], ones16)
        return o_acc + d * d
    o_acc = lax.fori_loop(0, chunk // _L, hist_body,
                          jnp.zeros((_L,), jnp.float32))
    o_red[...] = o_acc

    def red_body(j, c):
        ca = cnt_rows[0, pl.ds(j * _L, _L)]
        for r in range(1, _L):
            ca = ca + cnt_rows[r, pl.ds(j * _L, _L)]
        cnt_red[pl.ds(j * _L, _L)] = ca
        return c
    lax.fori_loop(0, cp // _L, red_body, 0)

    pltpu.sync_copy(cnt_red, counts_out.at[wid])
    pltpu.sync_copy(o_red, o_out.at[pl.ds(wid * _L, _L)])


def _make_sc_hist(batch, cp):
    chunk = batch // _NW
    mesh = plsc.VectorSubcoreMesh(core_axis_name="c", subcore_axis_name="s")
    return functools.partial(
        pl.kernel,
        mesh=mesh,
        compiler_params=pltpu.CompilerParams(use_tc_tiling_on_sc=False,
                                             needs_layout_passes=False),
        out_type=(
            jax.ShapeDtypeStruct((_NW, cp), jnp.float32),
            jax.ShapeDtypeStruct((_NW * _L,), jnp.float32),
        ),
        scratch_types=[
            pltpu.VMEM((chunk,), jnp.float32),
            pltpu.VMEM((chunk,), jnp.int32),
            pltpu.VMEM((_L, cp), jnp.float32),
            pltpu.VMEM((cp,), jnp.float32),
            pltpu.VMEM((_L,), jnp.float32),
        ],
    )(functools.partial(_sc_hist_body, cp, chunk))


def _hp_body(num_classes, cp, yp_ref, out_ref, acc):
    g = pl.program_id(0)

    yp = yp_ref[...].reshape(1, _K)
    ypc = jnp.clip(yp, 0.0, float(num_classes - 1))
    f = ypc.astype(jnp.int32)
    p = ypc - f.astype(jnp.float32)
    vals = jnp.concatenate([1.0 - p, p], axis=0)
    iota_c = jax.lax.broadcasted_iota(jnp.int32, (_K, cp), 1)
    oh = (f.reshape(_K, 1) == iota_c).astype(jnp.float32)
    m = jnp.dot(vals, oh, preferred_element_type=jnp.float32)

    @pl.when(g == 0)
    def _():
        acc[...] = jnp.zeros_like(acc)
    acc[...] += m

    @pl.when(g == pl.num_programs(0) - 1)
    def _():
        fl = acc[0:1, :]
        cl = acc[1:2, :]
        clsh = jnp.concatenate(
            [jnp.zeros((1, 1), jnp.float32), cl[:, :cp - 1]], axis=1)
        out_ref[...] = fl + clsh


def _hp(yp3, batch, num_classes, cp):
    body = functools.partial(_hp_body, num_classes, cp)
    return pl.pallas_call(
        body,
        grid=(batch // _K,),
        in_specs=[pl.BlockSpec((1, 1, _K), lambda g: (g, 0, 0))],
        out_specs=pl.BlockSpec((1, cp), lambda g: (0, 0)),
        out_shape=jax.ShapeDtypeStruct((1, cp), jnp.float32),
        scratch_shapes=[pltpu.VMEM((2, cp), jnp.float32)],
    )(yp3)


def _combine_body(batch, num_classes, eps,
                  hp_ref, counts_ref, o_ref, hb_ref, w_ref, out_ref):
    hp = hp_ref[...][:, :num_classes]
    counts = jnp.sum(counts_ref[...], axis=0, keepdims=True)
    o_total = jnp.sum(o_ref[...])
    hi = jax.lax.Precision.HIGHEST
    ht = jnp.dot(counts[:, :num_classes], hb_ref[...], precision=hi,
                 preferred_element_type=jnp.float32)
    t = jnp.dot(ht, w_ref[...], precision=hi,
                preferred_element_type=jnp.float32)
    e = jnp.sum(t * hp) / float(batch)
    out_ref[...] = jnp.log(o_total / (e + eps)).reshape(1, 1)


def _combine(hp_row, counts_p, o_p, hist_bricks, weights, batch, eps):
    num_classes = hist_bricks.shape[0]
    body = functools.partial(_combine_body, batch, num_classes, eps)
    out = pl.pallas_call(
        body,
        out_shape=jax.ShapeDtypeStruct((1, 1), jnp.float32),
    )(hp_row, counts_p, o_p, hist_bricks, weights)
    return out[0, 0]


def kernel(y_pred, y_true, weights, hist_bricks):
    batch = y_pred.shape[0]
    num_classes = hist_bricks.shape[0]
    cp = ((num_classes + 127) // 128) * 128

    ypf = y_pred.reshape(batch)
    yti = y_true.reshape(batch).astype(jnp.int32)

    yp3 = y_pred.reshape(batch // _K, 1, _K)
    hp_row = _hp(yp3, batch, num_classes, cp)
    counts_p, o_p = _make_sc_hist(batch, cp)(ypf, yti)
    o_p = o_p.reshape(4, (_NW * _L) // 4)
    return _combine(hp_row, counts_p, o_p, hist_bricks, weights,
                    batch, 1e-10)

# --- scband reference (transcript-rebuilt; emitter-appended) ---
"""Pipeline reference for scband-weighted-kappa-loss-27169963114737 (READ-ONLY COPY).

The authoritative reference and input builder live on the scoring server;
editing this copy changes nothing except your own understanding.
"""

import jax, jax.numpy as jnp
import numpy as np

NUM_CLASSES = 1000
BATCH = 16384
EPSILON = 1e-10


def setup_inputs(seed: int = 0) -> dict:
    key = jax.random.key(seed)
    k1, k2 = jax.random.split(key)
    y_pred = jax.random.normal(k1, (BATCH, 1), dtype=jnp.float32)
    y_true = jax.random.randint(k2, (BATCH, 1), 0, NUM_CLASSES, dtype=jnp.int32)
    w = jnp.tile(jnp.arange(NUM_CLASSES, dtype=jnp.float32)[:, None], (1, NUM_CLASSES))
    weights = jnp.square(w - w.T)
    hist_bricks = jnp.eye(NUM_CLASSES, dtype=jnp.float32)
    return {"y_pred": y_pred, "y_true": y_true, "weights": weights, "hist_bricks": hist_bricks}


def reference(y_pred, y_true, weights, hist_bricks):
    num_classes = hist_bricks.shape[0]
    y_true = y_true.astype(jnp.int32)
    bsize = y_true.shape[0]
    # regression branch
    O = jnp.sum(jnp.square(y_pred - y_true.astype(y_pred.dtype)))
    # hist_true: gather one-hot rows and sum over batch -> [1, C]
    hist_true = jnp.sum(hist_bricks[y_true], axis=0)
    yp = jnp.clip(y_pred, 0.0, num_classes - 1)
    y_pred_floor = jnp.floor(yp).astype(jnp.int32)
    y_pred_ceil = jnp.ceil(yp).astype(jnp.int32)
    y_pred_perc = jnp.transpose(yp % 1.0)  # [1, B]
    floor_loss = jnp.matmul(1.0 - y_pred_perc, jnp.squeeze(hist_bricks[y_pred_floor]))  # [1, C]
    ceil_loss = jnp.matmul(y_pred_perc, jnp.squeeze(hist_bricks[y_pred_ceil]))  # [1, C]
    hist_pred = floor_loss + ceil_loss
    expected_probs = jnp.matmul(jnp.reshape(hist_true, (num_classes, 1)), jnp.reshape(hist_pred, (1, num_classes)))
    E = jnp.sum(weights * expected_probs / bsize)
    loss = O / (E + EPSILON)
    return jnp.log(loss)

if __name__ == "__main__":
    import jax
    _d = setup_inputs()
    print(jax.jit(kernel)(*tuple(_d.values())))

</pallas_src>

<mosaic_0001>
#map = affine_map<(d0, d1) -> (0)>
#map1 = affine_map<(d0, d1) -> (0, 0)>
module attributes {stable_mosaic.version = 14 : i64} {
  func.func @_sc_hist_body(%arg0: i32, %arg1: i32, %arg2: memref<16384xf32, #tpu.memory_space<hbm>>, %arg3: memref<16384xi32, #tpu.memory_space<hbm>>, %arg4: memref<32x1024xf32, #tpu.memory_space<hbm>>, %arg5: memref<512xf32, #tpu.memory_space<hbm>>, %arg6: memref<512xf32, #tpu.memory_space<vmem>>, %arg7: memref<512xi32, #tpu.memory_space<vmem>>, %arg8: memref<16x1024xf32, #tpu.memory_space<vmem>>, %arg9: memref<1024xf32, #tpu.memory_space<vmem>>, %arg10: memref<16xf32, #tpu.memory_space<vmem>>) attributes {dimension_semantics = [#tpu.dimension_semantics<core_parallel>, #tpu.dimension_semantics<subcore_parallel>], iteration_bounds = array<i64: 2, 16>, scalar_prefetch = 0 : i64, scratch_operands = 5 : i64, tpu.core_type = #tpu.core_type<sc_vector_subcore>, window_params = [{transform_indices = #map}, {transform_indices = #map}, {transform_indices = #map1}, {transform_indices = #map}]} {
    %mul3A = arith.constant 2 : i32
    %mul3A_0 = arith.muli %arg1, %mul3A : i32
    %add3A = arith.addi %mul3A_0, %arg0 : i32
    %mul3A_1 = arith.constant 512 : i32
    %mul3A_2 = arith.muli %add3A, %mul3A_1 : i32
    "tpu.region"() ({
      %run_scoped3A = tpu.sem_alloc : memref<!tpu.dma_semaphore, #tpu.memory_space<semaphore_mem>>
      %dma_start3A = tpu.memref_slice %arg2[%mul3A_2] : memref<16384xf32, #tpu.memory_space<hbm>> -> memref<512xf32, #tpu.memory_space<hbm>>
      %dma_start3A_28 = tpu.memref_slice %arg2[%mul3A_2] : memref<16384xf32, #tpu.memory_space<hbm>> -> memref<512xf32, #tpu.memory_space<hbm>>
      tpu.enqueue_dma source(%dma_start3A_28 : memref<512xf32, #tpu.memory_space<hbm>>) target(%arg6 : memref<512xf32, #tpu.memory_space<vmem>>) target_semaphore(%run_scoped3A : memref<!tpu.dma_semaphore, #tpu.memory_space<semaphore_mem>>)
      %dma_wait3A = tpu.memref_slice %arg2[%mul3A_2] : memref<16384xf32, #tpu.memory_space<hbm>> -> memref<512xf32, #tpu.memory_space<hbm>>
      %dma_wait3A_29 = tpu.memref_slice %arg2[%mul3A_2] : memref<16384xf32, #tpu.memory_space<hbm>> -> memref<512xf32, #tpu.memory_space<hbm>>
      tpu.wait_dma2 semaphore(%run_scoped3A : memref<!tpu.dma_semaphore, #tpu.memory_space<semaphore_mem>>) src(%dma_wait3A_29 : memref<512xf32, #tpu.memory_space<hbm>>) dst(%arg6 : memref<512xf32, #tpu.memory_space<vmem>>)
      tpu.yield
    }) : () -> ()
    "tpu.region"() ({
      %run_scoped3A = tpu.sem_alloc : memref<!tpu.dma_semaphore, #tpu.memory_space<semaphore_mem>>
      %dma_start3A = tpu.memref_slice %arg3[%mul3A_2] : memref<16384xi32, #tpu.memory_space<hbm>> -> memref<512xi32, #tpu.memory_space<hbm>>
      %dma_start3A_28 = tpu.memref_slice %arg3[%mul3A_2] : memref<16384xi32, #tpu.memory_space<hbm>> -> memref<512xi32, #tpu.memory_space<hbm>>
      tpu.enqueue_dma source(%dma_start3A_28 : memref<512xi32, #tpu.memory_space<hbm>>) target(%arg7 : memref<512xi32, #tpu.memory_space<vmem>>) target_semaphore(%run_scoped3A : memref<!tpu.dma_semaphore, #tpu.memory_space<semaphore_mem>>)
      %dma_wait3A = tpu.memref_slice %arg3[%mul3A_2] : memref<16384xi32, #tpu.memory_space<hbm>> -> memref<512xi32, #tpu.memory_space<hbm>>
      %dma_wait3A_29 = tpu.memref_slice %arg3[%mul3A_2] : memref<16384xi32, #tpu.memory_space<hbm>> -> memref<512xi32, #tpu.memory_space<hbm>>
      tpu.wait_dma2 semaphore(%run_scoped3A : memref<!tpu.dma_semaphore, #tpu.memory_space<semaphore_mem>>) src(%dma_wait3A_29 : memref<512xi32, #tpu.memory_space<hbm>>) dst(%arg7 : memref<512xi32, #tpu.memory_space<vmem>>)
      tpu.yield
    }) : () -> ()
    %broadcast_in_dim3A = arith.constant 0.000000e+00 : f32
    %broadcast_in_dim3A_3 = vector.broadcast %broadcast_in_dim3A : f32 to vector<16xf32>
    %broadcast_in_dim3A_4 = arith.constant 1.000000e+00 : f32
    %broadcast_in_dim3A_5 = vector.broadcast %broadcast_in_dim3A_4 : f32 to vector<16xf32>
    %iota3A = tpu.iota {dimensions = array<i32: 0>} : vector<16xi32>
    %scan3A = arith.constant 0 : i32
    %scan3A_6 = arith.constant 0 : i32
    %scan3A_7 = arith.constant 64 : i32
    %scan3A_8 = arith.addi %scan3A_6, %scan3A_7 : i32
    %scan3A_9 = arith.constant 1 : i32
    scf.for %scan3A_28 = %scan3A_6 to %scan3A_8 step %scan3A_9  : i32 {
      %mul3A_29 = arith.constant 16 : i32
      %mul3A_30 = arith.muli %scan3A_28, %mul3A_29 : i32
      %swap3A_31 = arith.constant 0 : i32
      %swap3A_32 = arith.index_cast %swap3A_31 : i32 to index
      %swap3A_33 = arith.index_cast %mul3A_30 : i32 to index
      %swap3A_34 = tpu.vector_load %arg8[%swap3A_32, %swap3A_33] {strides = array<i32>} : memref<16x1024xf32, #tpu.memory_space<vmem>>, vector<16xf32>,
      tpu.vector_store %arg8[%swap3A_32, %swap3A_33], %broadcast_in_dim3A_3 {strides = array<i32>} : memref<16x1024xf32, #tpu.memory_space<vmem>>, vector<16xf32>,
      %mul3A_35 = arith.constant 16 : i32
      %mul3A_36 = arith.muli %scan3A_28, %mul3A_35 : i32
      %swap3A_37 = arith.constant 1 : i32
      %swap3A_38 = arith.index_cast %swap3A_37 : i32 to index
      %swap3A_39 = arith.index_cast %mul3A_36 : i32 to index
      %swap3A_40 = tpu.vector_load %arg8[%swap3A_38, %swap3A_39] {strides = array<i32>} : memref<16x1024xf32, #tpu.memory_space<vmem>>, vector<16xf32>,
      tpu.vector_store %arg8[%swap3A_38, %swap3A_39], %broadcast_in_dim3A_3 {strides = array<i32>} : memref<16x1024xf32, #tpu.memory_space<vmem>>, vector<16xf32>,
      %mul3A_41 = arith.constant 16 : i32
      %mul3A_42 = arith.muli %scan3A_28, %mul3A_41 : i32
      %swap3A_43 = arith.constant 2 : i32
      %swap3A_44 = arith.index_cast %swap3A_43 : i32 to index
      %swap3A_45 = arith.index_cast %mul3A_42 : i32 to index
      %swap3A_46 = tpu.vector_load %arg8[%swap3A_44, %swap3A_45] {strides = array<i32>} : memref<16x1024xf32, #tpu.memory_space<vmem>>, vector<16xf32>,
      tpu.vector_store %arg8[%swap3A_44, %swap3A_45], %broadcast_in_dim3A_3 {strides = array<i32>} : memref<16x1024xf32, #tpu.memory_space<vmem>>, vector<16xf32>,
      %mul3A_47 = arith.constant 16 : i32
      %mul3A_48 = arith.muli %scan3A_28, %mul3A_47 : i32
      %swap3A_49 = arith.constant 3 : i32
      %swap3A_50 = arith.index_cast %swap3A_49 : i32 to index
      %swap3A_51 = arith.index_cast %mul3A_48 : i32 to index
      %swap3A_52 = tpu.vector_load %arg8[%swap3A_50, %swap3A_51] {strides = array<i32>} : memref<16x1024xf32, #tpu.memory_space<vmem>>, vector<16xf32>,
      tpu.vector_store %arg8[%swap3A_50, %swap3A_51], %broadcast_in_dim3A_3 {strides = array<i32>} : memref<16x1024xf32, #tpu.memory_space<vmem>>, vector<16xf32>,
      %mul3A_53 = arith.constant 16 : i32
      %mul3A_54 = arith.muli %scan3A_28, %mul3A_53 : i32
      %swap3A_55 = arith.constant 4 : i32
      %swap3A_56 = arith.index_cast %swap3A_55 : i32 to index
      %swap3A_57 = arith.index_cast %mul3A_54 : i32 to index
      %swap3A_58 = tpu.vector_load %arg8[%swap3A_56, %swap3A_57] {strides = array<i32>} : memref<16x1024xf32, #tpu.memory_space<vmem>>, vector<16xf32>,
      tpu.vector_store %arg8[%swap3A_56, %swap3A_57], %broadcast_in_dim3A_3 {strides = array<i32>} : memref<16x1024xf32, #tpu.memory_space<vmem>>, vector<16xf32>,
      %mul3A_59 = arith.constant 16 : i32
      %mul3A_60 = arith.muli %scan3A_28, %mul3A_59 : i32
      %swap3A_61 = arith.constant 5 : i32
      %swap3A_62 = arith.index_cast %swap3A_61 : i32 to index
      %swap3A_63 = arith.index_cast %mul3A_60 : i32 to index
      %swap3A_64 = tpu.vector_load %arg8[%swap3A_62, %swap3A_63] {strides = array<i32>} : memref<16x1024xf32, #tpu.memory_space<vmem>>, vector<16xf32>,
      tpu.vector_store %arg8[%swap3A_62, %swap3A_63], %broadcast_in_dim3A_3 {strides = array<i32>} : memref<16x1024xf32, #tpu.memory_space<vmem>>, vector<16xf32>,
      %mul3A_65 = arith.constant 16 : i32
      %mul3A_66 = arith.muli %scan3A_28, %mul3A_65 : i32
      %swap3A_67 = arith.constant 6 : i32
      %swap3A_68 = arith.index_cast %swap3A_67 : i32 to index
      %swap3A_69 = arith.index_cast %mul3A_66 : i32 to index
      %swap3A_70 = tpu.vector_load %arg8[%swap3A_68, %swap3A_69] {strides = array<i32>} : memref<16x1024xf32, #tpu.memory_space<vmem>>, vector<16xf32>,
      tpu.vector_store %arg8[%swap3A_68, %swap3A_69], %broadcast_in_dim3A_3 {strides = array<i32>} : memref<16x1024xf32, #tpu.memory_space<vmem>>, vector<16xf32>,
      %mul3A_71 = arith.constant 16 : i32
      %mul3A_72 = arith.muli %scan3A_28, %mul3A_71 : i32
      %swap3A_73 = arith.constant 7 : i32
      %swap3A_74 = arith.index_cast %swap3A_73 : i32 to index
      %swap3A_75 = arith.index_cast %mul3A_72 : i32 to index
      %swap3A_76 = tpu.vector_load %arg8[%swap3A_74, %swap3A_75] {strides = array<i32>} : memref<16x1024xf32, #tpu.memory_space<vmem>>, vector<16xf32>,
      tpu.vector_store %arg8[%swap3A_74, %swap3A_75], %broadcast_in_dim3A_3 {strides = array<i32>} : memref<16x1024xf32, #tpu.memory_space<vmem>>, vector<16xf32>,
      %mul3A_77 = arith.constant 16 : i32
      %mul3A_78 = arith.muli %scan3A_28, %mul3A_77 : i32
      %swap3A_79 = arith.constant 8 : i32
      %swap3A_80 = arith.index_cast %swap3A_79 : i32 to index
      %swap3A_81 = arith.index_cast %mul3A_78 : i32 to index
      %swap3A_82 = tpu.vector_load %arg8[%swap3A_80, %swap3A_81] {strides = array<i32>} : memref<16x1024xf32, #tpu.memory_space<vmem>>, vector<16xf32>,
      tpu.vector_store %arg8[%swap3A_80, %swap3A_81], %broadcast_in_dim3A_3 {strides = array<i32>} : memref<16x1024xf32, #tpu.memory_space<vmem>>, vector<16xf32>,
      %mul3A_83 = arith.constant 16 : i32
      %mul3A_84 = arith.muli %scan3A_28, %mul3A_83 : i32
      %swap3A_85 = arith.constant 9 : i32
      %swap3A_86 = arith.index_cast %swap3A_85 : i32 to index
      %swap3A_87 = arith.index_cast %mul3A_84 : i32 to index
      %swap3A_88 = tpu.vector_load %arg8[%swap3A_86, %swap3A_87] {strides = array<i32>} : memref<16x1024xf32, #tpu.memory_space<vmem>>, vector<16xf32>,
      tpu.vector_store %arg8[%swap3A_86, %swap3A_87], %broadcast_in_dim3A_3 {strides = array<i32>} : memref<16x1024xf32, #tpu.memory_space<vmem>>, vector<16xf32>,
      %mul3A_89 = arith.constant 16 : i32
      %mul3A_90 = arith.muli %scan3A_28, %mul3A_89 : i32
      %swap3A_91 = arith.constant 10 : i32
      %swap3A_92 = arith.index_cast %swap3A_91 : i32 to index
      %swap3A_93 = arith.index_cast %mul3A_90 : i32 to index
      %swap3A_94 = tpu.vector_load %arg8[%swap3A_92, %swap3A_93] {strides = array<i32>} : memref<16x1024xf32, #tpu.memory_space<vmem>>, vector<16xf32>,
      tpu.vector_store %arg8[%swap3A_92, %swap3A_93], %broadcast_in_dim3A_3 {strides = array<i32>} : memref<16x1024xf32, #tpu.memory_space<vmem>>, vector<16xf32>,
      %mul3A_95 = arith.constant 16 : i32
      %mul3A_96 = arith.muli %scan3A_28, %mul3A_95 : i32
      %swap3A_97 = arith.constant 11 : i32
      %swap3A_98 = arith.index_cast %swap3A_97 : i32 to index
      %swap3A_99 = arith.index_cast %mul3A_96 : i32 to index
      %swap3A_100 = tpu.vector_load %arg8[%swap3A_98, %swap3A_99] {strides = array<i32>} : memref<16x1024xf32, #tpu.memory_space<vmem>>, vector<16xf32>,
      tpu.vector_store %arg8[%swap3A_98, %swap3A_99], %broadcast_in_dim3A_3 {strides = array<i32>} : memref<16x1024xf32, #tpu.memory_space<vmem>>, vector<16xf32>,
      %mul3A_101 = arith.constant 16 : i32
      %mul3A_102 = arith.muli %scan3A_28, %mul3A_101 : i32
      %swap3A_103 = arith.constant 12 : i32
      %swap3A_104 = arith.index_cast %swap3A_103 : i32 to index
      %swap3A_105 = arith.index_cast %mul3A_102 : i32 to index
      %swap3A_106 = tpu.vector_load %arg8[%swap3A_104, %swap3A_105] {strides = array<i32>} : memref<16x1024xf32, #tpu.memory_space<vmem>>, vector<16xf32>,
      tpu.vector_store %arg8[%swap3A_104, %swap3A_105], %broadcast_in_dim3A_3 {strides = array<i32>} : memref<16x1024xf32, #tpu.memory_space<vmem>>, vector<16xf32>,
      %mul3A_107 = arith.constant 16 : i32
      %mul3A_108 = arith.muli %scan3A_28, %mul3A_107 : i32
      %swap3A_109 = arith.constant 13 : i32
      %swap3A_110 = arith.index_cast %swap3A_109 : i32 to index
      %swap3A_111 = arith.index_cast %mul3A_108 : i32 to index
      %swap3A_112 = tpu.vector_load %arg8[%swap3A_110, %swap3A_111] {strides = array<i32>} : memref<16x1024xf32, #tpu.memory_space<vmem>>, vector<16xf32>,
      tpu.vector_store %arg8[%swap3A_110, %swap3A_111], %broadcast_in_dim3A_3 {strides = array<i32>} : memref<16x1024xf32, #tpu.memory_space<vmem>>, vector<16xf32>,
      %mul3A_113 = arith.constant 16 : i32
      %mul3A_114 = arith.muli %scan3A_28, %mul3A_113 : i32
      %swap3A_115 = arith.constant 14 : i32
      %swap3A_116 = arith.index_cast %swap3A_115 : i32 to index
      %swap3A_117 = arith.index_cast %mul3A_114 : i32 to index
      %swap3A_118 = tpu.vector_load %arg8[%swap3A_116, %swap3A_117] {strides = array<i32>} : memref<16x1024xf32, #tpu.memory_space<vmem>>, vector<16xf32>,
      tpu.vector_store %arg8[%swap3A_116, %swap3A_117], %broadcast_in_dim3A_3 {strides = array<i32>} : memref<16x1024xf32, #tpu.memory_space<vmem>>, vector<16xf32>,
      %mul3A_119 = arith.constant 16 : i32
      %mul3A_120 = arith.muli %scan3A_28, %mul3A_119 : i32
      %swap3A_121 = arith.constant 15 : i32
      %swap3A_122 = arith.index_cast %swap3A_121 : i32 to index
      %swap3A_123 = arith.index_cast %mul3A_120 : i32 to index
      %swap3A_124 = tpu.vector_load %arg8[%swap3A_122, %swap3A_123] {strides = array<i32>} : memref<16x1024xf32, #tpu.memory_space<vmem>>, vector<16xf32>,
      tpu.vector_store %arg8[%swap3A_122, %swap3A_123], %broadcast_in_dim3A_3 {strides = array<i32>} : memref<16x1024xf32, #tpu.memory_space<vmem>>, vector<16xf32>,
    }
    %scan3A_10 = arith.constant 64 : i32
    %broadcast_in_dim3A_11 = arith.constant 0.000000e+00 : f32
    %broadcast_in_dim3A_12 = vector.broadcast %broadcast_in_dim3A_11 : f32 to vector<16xf32>
    %scan3A_13 = arith.constant 0 : i32
    %scan3A_14 = arith.constant 32 : i32
    %scan3A_15 = arith.addi %scan3A_13, %scan3A_14 : i32
    %scan3A_16 = arith.constant 1 : i32
    %scan3A_17 = scf.for %scan3A_28 = %scan3A_13 to %scan3A_15 step %scan3A_16 iter_args(%scan3A_29 = %broadcast_in_dim3A_12) -> (vector<16xf32>)  : i32 {
      %mul3A_30 = arith.constant 16 : i32
      %mul3A_31 = arith.muli %scan3A_28, %mul3A_30 : i32
      %get3A = arith.index_cast %mul3A_31 : i32 to index
      %get3A_32 = tpu.vector_load %arg6[%get3A] {strides = array<i32>} : memref<512xf32, #tpu.memory_space<vmem>>, vector<16xf32>,
      %mul3A_33 = arith.constant 16 : i32
      %mul3A_34 = arith.muli %scan3A_28, %mul3A_33 : i32
      %get3A_35 = arith.index_cast %mul3A_34 : i32 to index
      %get3A_36 = tpu.vector_load %arg7[%get3A_35] {strides = array<i32>} : memref<512xi32, #tpu.memory_space<vmem>>, vector<16xi32>,
      %convert_element_type3A = arith.sitofp %get3A_36 : vector<16xi32> to vector<16xf32>
      %sub3A = arith.subf %get3A_32, %convert_element_type3A : vector<16xf32>
      tpu.vector_store_idx %arg8[%iota3A, %get3A_36], %broadcast_in_dim3A_5 {add = true} : memref<16x1024xf32, #tpu.memory_space<vmem>>[vector<16xi32>, vector<16xi32>], vector<16xf32>,
      %mul3A_37 = arith.mulf %sub3A, %sub3A : vector<16xf32>
      %add3A_38 = arith.addf %scan3A_29, %mul3A_37 : vector<16xf32>
      scf.yield %add3A_38 : vector<16xf32>
    }
    %scan3A_18 = arith.constant 32 : i32
    %swap3A = arith.constant 0 : index
    %swap3A_19 = tpu.vector_load %arg10[%swap3A] {strides = array<i32>} : memref<16xf32, #tpu.memory_space<vmem>>, vector<16xf32>,
    tpu.vector_store %arg10[%swap3A], %scan3A_17 {strides = array<i32>} : memref<16xf32, #tpu.memory_space<vmem>>, vector<16xf32>,
    %scan3A_20 = arith.constant 0 : i32
    %scan3A_21 = arith.constant 0 : i32
    %scan3A_22 = arith.constant 64 : i32
    %scan3A_23 = arith.addi %scan3A_21, %scan3A_22 : i32
    %scan3A_24 = arith.constant 1 : i32
    scf.for %scan3A_28 = %scan3A_21 to %scan3A_23 step %scan3A_24  : i32 {
      %mul3A_29 = arith.constant 16 : i32
      %mul3A_30 = arith.muli %scan3A_28, %mul3A_29 : i32
      %get3A = arith.constant 0 : i32
      %get3A_31 = arith.index_cast %get3A : i32 to index
      %get3A_32 = arith.index_cast %mul3A_30 : i32 to index
      %get3A_33 = tpu.vector_load %arg8[%get3A_31, %get3A_32] {strides = array<i32>} : memref<16x1024xf32, #tpu.memory_space<vmem>>, vector<16xf32>,
      %mul3A_34 = arith.constant 16 : i32
      %mul3A_35 = arith.muli %scan3A_28, %mul3A_34 : i32
      %get3A_36 = arith.constant 1 : i32
      %get3A_37 = arith.index_cast %get3A_36 : i32 to index
      %get3A_38 = arith.index_cast %mul3A_35 : i32 to index
      %get3A_39 = tpu.vector_load %arg8[%get3A_37, %get3A_38] {strides = array<i32>} : memref<16x1024xf32, #tpu.memory_space<vmem>>, vector<16xf32>,
      %add3A_40 = arith.addf %get3A_33, %get3A_39 : vector<16xf32>
      %mul3A_41 = arith.constant 16 : i32
      %mul3A_42 = arith.muli %scan3A_28, %mul3A_41 : i32
      %get3A_43 = arith.constant 2 : i32
      %get3A_44 = arith.index_cast %get3A_43 : i32 to index
      %get3A_45 = arith.index_cast %mul3A_42 : i32 to index
      %get3A_46 = tpu.vector_load %arg8[%get3A_44, %get3A_45] {strides = array<i32>} : memref<16x1024xf32, #tpu.memory_space<vmem>>, vector<16xf32>,
      %add3A_47 = arith.addf %add3A_40, %get3A_46 : vector<16xf32>
      %mul3A_48 = arith.constant 16 : i32
      %mul3A_49 = arith.muli %scan3A_28, %mul3A_48 : i32
      %get3A_50 = arith.constant 3 : i32
      %get3A_51 = arith.index_cast %get3A_50 : i32 to index
      %get3A_52 = arith.index_cast %mul3A_49 : i32 to index
      %get3A_53 = tpu.vector_load %arg8[%get3A_51, %get3A_52] {strides = array<i32>} : memref<16x1024xf32, #tpu.memory_space<vmem>>, vector<16xf32>,
      %add3A_54 = arith.addf %add3A_47, %get3A_53 : vector<16xf32>
      %mul3A_55 = arith.constant 16 : i32
      %mul3A_56 = arith.muli %scan3A_28, %mul3A_55 : i32
      %get3A_57 = arith.constant 4 : i32
      %get3A_58 = arith.index_cast %get3A_57 : i32 to index
      %get3A_59 = arith.index_cast %mul3A_56 : i32 to index
      %get3A_60 = tpu.vector_load %arg8[%get3A_58, %get3A_59] {strides = array<i32>} : memref<16x1024xf32, #tpu.memory_space<vmem>>, vector<16xf32>,
      %add3A_61 = arith.addf %add3A_54, %get3A_60 : vector<16xf32>
      %mul3A_62 = arith.constant 16 : i32
      %mul3A_63 = arith.muli %scan3A_28, %mul3A_62 : i32
      %get3A_64 = arith.constant 5 : i32
      %get3A_65 = arith.index_cast %get3A_64 : i32 to index
      %get3A_66 = arith.index_cast %mul3A_63 : i32 to index
      %get3A_67 = tpu.vector_load %arg8[%get3A_65, %get3A_66] {strides = array<i32>} : memref<16x1024xf32, #tpu.memory_space<vmem>>, vector<16xf32>,
      %add3A_68 = arith.addf %add3A_61, %get3A_67 : vector<16xf32>
      %mul3A_69 = arith.constant 16 : i32
      %mul3A_70 = arith.muli %scan3A_28, %mul3A_69 : i32
      %get3A_71 = arith.constant 6 : i32
      %get3A_72 = arith.index_cast %get3A_71 : i32 to index
      %get3A_73 = arith.index_cast %mul3A_70 : i32 to index
      %get3A_74 = tpu.vector_load %arg8[%get3A_72, %get3A_73] {strides = array<i32>} : memref<16x1024xf32, #tpu.memory_space<vmem>>, vector<16xf32>,
      %add3A_75 = arith.addf %add3A_68, %get3A_74 : vector<16xf32>
      %mul3A_76 = arith.constant 16 : i32
      %mul3A_77 = arith.muli %scan3A_28, %mul3A_76 : i32
      %get3A_78 = arith.constant 7 : i32
      %get3A_79 = arith.index_cast %get3A_78 : i32 to index
      %get3A_80 = arith.index_cast %mul3A_77 : i32 to index
      %get3A_81 = tpu.vector_load %arg8[%get3A_79, %get3A_80] {strides = array<i32>} : memref<16x1024xf32, #tpu.memory_space<vmem>>, vector<16xf32>,
      %add3A_82 = arith.addf %add3A_75, %get3A_81 : vector<16xf32>
      %mul3A_83 = arith.constant 16 : i32
      %mul3A_84 = arith.muli %scan3A_28, %mul3A_83 : i32
      %get3A_85 = arith.constant 8 : i32
      %get3A_86 = arith.index_cast %get3A_85 : i32 to index
      %get3A_87 = arith.index_cast %mul3A_84 : i32 to index
      %get3A_88 = tpu.vector_load %arg8[%get3A_86, %get3A_87] {strides = array<i32>} : memref<16x1024xf32, #tpu.memory_space<vmem>>, vector<16xf32>,
      %add3A_89 = arith.addf %add3A_82, %get3A_88 : vector<16xf32>
      %mul3A_90 = arith.constant 16 : i32
      %mul3A_91 = arith.muli %scan3A_28, %mul3A_90 : i32
      %get3A_92 = arith.constant 9 : i32
      %get3A_93 = arith.index_cast %get3A_92 : i32 to index
      %get3A_94 = arith.index_cast %mul3A_91 : i32 to index
      %get3A_95 = tpu.vector_load %arg8[%get3A_93, %get3A_94] {strides = array<i32>} : memref<16x1024xf32, #tpu.memory_space<vmem>>, vector<16xf32>,
      %add3A_96 = arith.addf %add3A_89, %get3A_95 : vector<16xf32>
      %mul3A_97 = arith.constant 16 : i32
      %mul3A_98 = arith.muli %scan3A_28, %mul3A_97 : i32
      %get3A_99 = arith.constant 10 : i32
      %get3A_100 = arith.index_cast %get3A_99 : i32 to index
      %get3A_101 = arith.index_cast %mul3A_98 : i32 to index
      %get3A_102 = tpu.vector_load %arg8[%get3A_100, %get3A_101] {strides = array<i32>} : memref<16x1024xf32, #tpu.memory_space<vmem>>, vector<16xf32>,
      %add3A_103 = arith.addf %add3A_96, %get3A_102 : vector<16xf32>
      %mul3A_104 = arith.constant 16 : i32
      %mul3A_105 = arith.muli %scan3A_28, %mul3A_104 : i32
      %get3A_106 = arith.constant 11 : i32
      %get3A_107 = arith.index_cast %get3A_106 : i32 to index
      %get3A_108 = arith.index_cast %mul3A_105 : i32 to index
      %get3A_109 = tpu.vector_load %arg8[%get3A_107, %get3A_108] {strides = array<i32>} : memref<16x1024xf32, #tpu.memory_space<vmem>>, vector<16xf32>,
      %add3A_110 = arith.addf %add3A_103, %get3A_109 : vector<16xf32>
      %mul3A_111 = arith.constant 16 : i32
      %mul3A_112 = arith.muli %scan3A_28, %mul3A_111 : i32
      %get3A_113 = arith.constant 12 : i32
      %get3A_114 = arith.index_cast %get3A_113 : i32 to index
      %get3A_115 = arith.index_cast %mul3A_112 : i32 to index
      %get3A_116 = tpu.vector_load %arg8[%get3A_114, %get3A_115] {strides = array<i32>} : memref<16x1024xf32, #tpu.memory_space<vmem>>, vector<16xf32>,
      %add3A_117 = arith.addf %add3A_110, %get3A_116 : vector<16xf32>
      %mul3A_118 = arith.constant 16 : i32
      %mul3A_119 = arith.muli %scan3A_28, %mul3A_118 : i32
      %get3A_120 = arith.constant 13 : i32
      %get3A_121 = arith.index_cast %get3A_120 : i32 to index
      %get3A_122 = arith.index_cast %mul3A_119 : i32 to index
      %get3A_123 = tpu.vector_load %arg8[%get3A_121, %get3A_122] {strides = array<i32>} : memref<16x1024xf32, #tpu.memory_space<vmem>>, vector<16xf32>,
      %add3A_124 = arith.addf %add3A_117, %get3A_123 : vector<16xf32>
      %mul3A_125 = arith.constant 16 : i32
      %mul3A_126 = arith.muli %scan3A_28, %mul3A_125 : i32
      %get3A_127 = arith.constant 14 : i32
      %get3A_128 = arith.index_cast %get3A_127 : i32 to index
      %get3A_129 = arith.index_cast %mul3A_126 : i32 to index
      %get3A_130 = tpu.vector_load %arg8[%get3A_128, %get3A_129] {strides = array<i32>} : memref<16x1024xf32, #tpu.memory_space<vmem>>, vector<16xf32>,
      %add3A_131 = arith.addf %add3A_124, %get3A_130 : vector<16xf32>
      %mul3A_132 = arith.constant 16 : i32
      %mul3A_133 = arith.muli %scan3A_28, %mul3A_132 : i32
      %get3A_134 = arith.constant 15 : i32
      %get3A_135 = arith.index_cast %get3A_134 : i32 to index
      %get3A_136 = arith.index_cast %mul3A_133 : i32 to index
      %get3A_137 = tpu.vector_load %arg8[%get3A_135, %get3A_136] {strides = array<i32>} : memref<16x1024xf32, #tpu.memory_space<vmem>>, vector<16xf32>,
      %add3A_138 = arith.addf %add3A_131, %get3A_137 : vector<16xf32>
      %mul3A_139 = arith.constant 16 : i32
      %mul3A_140 = arith.muli %scan3A_28, %mul3A_139 : i32
      %swap3A_141 = arith.index_cast %mul3A_140 : i32 to index
      %swap3A_142 = tpu.vector_load %arg9[%swap3A_141] {strides = array<i32>} : memref<1024xf32, #tpu.memory_space<vmem>>, vector<16xf32>,
      tpu.vector_store %arg9[%swap3A_141], %add3A_138 {strides = array<i32>} : memref<1024xf32, #tpu.memory_space<vmem>>, vector<16xf32>,
    }
    %scan3A_25 = arith.constant 64 : i32
    "tpu.region"() ({
      %run_scoped3A = tpu.sem_alloc : memref<!tpu.dma_semaphore, #tpu.memory_space<semaphore_mem>>
      %dma_start3A = arith.constant 0 : i32
      %dma_start3A_28 = tpu.memref_slice %arg4[%add3A, %dma_start3A] : memref<32x1024xf32, #tpu.memory_space<hbm>> -> memref<1x1024xf32, #tpu.memory_space<hbm>>
      %dma_start3A_29 = tpu.memref_squeeze %dma_start3A_28 : memref<1x1024xf32, #tpu.memory_space<hbm>> -> memref<1024xf32, #tpu.memory_space<hbm>>
      %dma_start3A_30 = arith.constant 0 : i32
      %dma_start3A_31 = tpu.memref_slice %arg4[%add3A, %dma_start3A_30] : memref<32x1024xf32, #tpu.memory_space<hbm>> -> memref<1x1024xf32, #tpu.memory_space<hbm>>
      %dma_start3A_32 = tpu.memref_squeeze %dma_start3A_31 : memref<1x1024xf32, #tpu.memory_space<hbm>> -> memref<1024xf32, #tpu.memory_space<hbm>>
      tpu.enqueue_dma source(%arg9 : memref<1024xf32, #tpu.memory_space<vmem>>) target(%dma_start3A_32 : memref<1024xf32, #tpu.memory_space<hbm>>) target_semaphore(%run_scoped3A : memref<!tpu.dma_semaphore, #tpu.memory_space<semaphore_mem>>)
      %dma_wait3A = arith.constant 0 : i32
      %dma_wait3A_33 = tpu.memref_slice %arg4[%add3A, %dma_wait3A] : memref<32x1024xf32, #tpu.memory_space<hbm>> -> memref<1x1024xf32, #tpu.memory_space<hbm>>
      %dma_wait3A_34 = tpu.memref_squeeze %dma_wait3A_33 : memref<1x1024xf32, #tpu.memory_space<hbm>> -> memref<1024xf32, #tpu.memory_space<hbm>>
      %dma_wait3A_35 = arith.constant 0 : i32
      %dma_wait3A_36 = tpu.memref_slice %arg4[%add3A, %dma_wait3A_35] : memref<32x1024xf32, #tpu.memory_space<hbm>> -> memref<1x1024xf32, #tpu.memory_space<hbm>>
      %dma_wait3A_37 = tpu.memref_squeeze %dma_wait3A_36 : memref<1x1024xf32, #tpu.memory_space<hbm>> -> memref<1024xf32, #tpu.memory_space<hbm>>
      tpu.wait_dma2 semaphore(%run_scoped3A : memref<!tpu.dma_semaphore, #tpu.memory_space<semaphore_mem>>) src(%arg9 : memref<1024xf32, #tpu.memory_space<vmem>>) dst(%dma_wait3A_37 : memref<1024xf32, #tpu.memory_space<hbm>>)
      tpu.yield
    }) : () -> ()
    %mul3A_26 = arith.constant 16 : i32
    %mul3A_27 = arith.muli %add3A, %mul3A_26 : i32
    "tpu.region"() ({
      %run_scoped3A = tpu.sem_alloc : memref<!tpu.dma_semaphore, #tpu.memory_space<semaphore_mem>>
      %dma_start3A = tpu.memref_slice %arg5[%mul3A_27] : memref<512xf32, #tpu.memory_space<hbm>> -> memref<16xf32, #tpu.memory_space<hbm>>
      %dma_start3A_28 = tpu.memref_slice %arg5[%mul3A_27] : memref<512xf32, #tpu.memory_space<hbm>> -> memref<16xf32, #tpu.memory_space<hbm>>
      tpu.enqueue_dma source(%arg10 : memref<16xf32, #tpu.memory_space<vmem>>) target(%dma_start3A_28 : memref<16xf32, #tpu.memory_space<hbm>>) target_semaphore(%run_scoped3A : memref<!tpu.dma_semaphore, #tpu.memory_space<semaphore_mem>>)
      %dma_wait3A = tpu.memref_slice %arg5[%mul3A_27] : memref<512xf32, #tpu.memory_space<hbm>> -> memref<16xf32, #tpu.memory_space<hbm>>
      %dma_wait3A_29 = tpu.memref_slice %arg5[%mul3A_27] : memref<512xf32, #tpu.memory_space<hbm>> -> memref<16xf32, #tpu.memory_space<hbm>>
      tpu.wait_dma2 semaphore(%run_scoped3A : memref<!tpu.dma_semaphore, #tpu.memory_space<semaphore_mem>>) src(%arg10 : memref<16xf32, #tpu.memory_space<vmem>>) dst(%dma_wait3A_29 : memref<16xf32, #tpu.memory_space<hbm>>)
      tpu.yield
    }) : () -> ()
    return
  }
}

module attributes {stable_mosaic.version = 14 : i64} {
  func.func @_hp_body(%arg0: i32, %arg1: memref<1x1x512xf32, #tpu.memory_space<vmem>>, %arg2: memref<1x1024xf32, #tpu.memory_space<vmem>>, %arg3: memref<2x1024xf32, #tpu.memory_space<vmem>>) attributes {dimension_semantics = [#tpu.dimension_semantics<arbitrary>], iteration_bounds = array<i64: 32>, scalar_prefetch = 0 : i64, scratch_operands = 1 : i64, tpu.core_type = #tpu.core_type<tc>, window_params = [{transform_indices = @transform_0, window_bounds = array<i64: 1, 1, 512>}, {pipeline_mode = #tpu.pipeline_mode<synchronous>, transform_indices = @transform_1, window_bounds = array<i64: 1, 1024>}]} {
    %get3A = arith.constant 0 : index
    %get3A_0 = arith.constant 0 : index
    %get3A_1 = arith.constant 0 : index
    %get3A_2 = vector.load %arg1[%get3A, %get3A_0, %get3A_1] : memref<1x1x512xf32, #tpu.memory_space<vmem>>, vector<1x1x512xf32>
    %reshape3A = vector.shape_cast %get3A_2 : vector<1x1x512xf32> to vector<1x512xf32>
    %jit3A = arith.constant 0.000000e+00 : f32
    %jit3A_3 = arith.constant 9.990000e+02 : f32
    %max3A = vector.broadcast %jit3A : f32 to vector<1x512xf32>
    %max3A_4 = arith.maximumf %max3A, %reshape3A : vector<1x512xf32>
    %min3A = vector.broadcast %jit3A_3 : f32 to vector<1x512xf32>
    %min3A_5 = arith.minimumf %min3A, %max3A_4 : vector<1x512xf32>
    %convert_element_type3A = arith.fptosi %min3A_5 : vector<1x512xf32> to vector<1x512xi32>
    %convert_element_type3A_6 = arith.sitofp %convert_element_type3A : vector<1x512xi32> to vector<1x512xf32>
    %sub3A = arith.subf %min3A_5, %convert_element_type3A_6 : vector<1x512xf32>
    %sub3A_7 = arith.constant 1.000000e+00 : f32
    %sub3A_8 = vector.broadcast %sub3A_7 : f32 to vector<1x512xf32>
    %sub3A_9 = arith.subf %sub3A_8, %sub3A : vector<1x512xf32>
    %concatenate3A = tpu.concatenate %sub3A_9, %sub3A in 0 : vector<1x512xf32>, vector<1x512xf32> -> vector<2x512xf32>
    %iota3A = tpu.iota {dimensions = array<i32: 1>} : vector<512x1024xi32>
    %reshape3A_10 = vector.shape_cast %convert_element_type3A : vector<1x512xi32> to vector<512x1xi32>
    %eq3A = vector.broadcast %reshape3A_10 : vector<512x1xi32> to vector<512x1024xi32>
    %eq3A_11 = arith.cmpi eq, %eq3A, %iota3A : vector<512x1024xi32>
    %convert_element_type3A_12 = arith.extui %eq3A_11 : vector<512x1024xi1> to vector<512x1024xi32>
    %convert_element_type3A_13 = arith.sitofp %convert_element_type3A_12 : vector<512x1024xi32> to vector<512x1024xf32>
    %dot_general3A = arith.constant dense<0.000000e+00> : vector<2x1024xf32>
    %dot_general3A_14 = tpu.matmul %concatenate3A, %convert_element_type3A_13, %dot_general3A {dimension_numbers = #tpu.dot_dimension_numbers<[1], [0], [0], [1], [0, 0, 1, 1], [], []>, transpose_lhs_hint = false} : vector<2x512xf32>, vector<512x1024xf32>, vector<2x1024xf32> -> vector<2x1024xf32>
    %eq3A_15 = arith.constant 0 : i32
    %eq3A_16 = arith.cmpi eq, %arg0, %eq3A_15 : i32
    %convert_element_type3A_17 = arith.extui %eq3A_16 : i1 to i32
    %cond3A = arith.constant 0 : i32
    %cond3A_18 = arith.cmpi ne, %convert_element_type3A_17, %cond3A : i32
    scf.if %cond3A_18 {
      %broadcast_in_dim3A = arith.constant 0.000000e+00 : f32
      %broadcast_in_dim3A_29 = vector.broadcast %broadcast_in_dim3A : f32 to vector<2x1024xf32>
      %swap3A_30 = arith.constant 0 : index
      %swap3A_31 = arith.constant 0 : index
      %swap3A_32 = vector.load %arg3[%swap3A_30, %swap3A_31] : memref<2x1024xf32, #tpu.memory_space<vmem>>, vector<2x1024xf32>
      tpu.vector_store %arg3[%swap3A_30, %swap3A_31], %broadcast_in_dim3A_29 {strides = array<i32>} : memref<2x1024xf32, #tpu.memory_space<vmem>>, vector<2x1024xf32>,
    } else {
    }
    %get3A_19 = arith.constant 0 : index
    %get3A_20 = arith.constant 0 : index
    %get3A_21 = vector.load %arg3[%get3A_19, %get3A_20] : memref<2x1024xf32, #tpu.memory_space<vmem>>, vector<2x1024xf32>
    %add3A = arith.addf %get3A_21, %dot_general3A_14 : vector<2x1024xf32>
    %swap3A = arith.constant 0 : index
    %swap3A_22 = arith.constant 0 : index
    %swap3A_23 = vector.load %arg3[%swap3A, %swap3A_22] : memref<2x1024xf32, #tpu.memory_space<vmem>>, vector<2x1024xf32>
    tpu.vector_store %arg3[%swap3A, %swap3A_22], %add3A {strides = array<i32>} : memref<2x1024xf32, #tpu.memory_space<vmem>>, vector<2x1024xf32>,
    %eq3A_24 = arith.constant 31 : i32
    %eq3A_25 = arith.cmpi eq, %arg0, %eq3A_24 : i32
    %convert_element_type3A_26 = arith.extui %eq3A_25 : i1 to i32
    %cond3A_27 = arith.constant 0 : i32
    %cond3A_28 = arith.cmpi ne, %convert_element_type3A_26, %cond3A_27 : i32
    scf.if %cond3A_28 {
      %get3A_29 = arith.constant 0 : index
      %get3A_30 = arith.constant 0 : index
      %get3A_31 = vector.load %arg3[%get3A_29, %get3A_30] : memref<2x1024xf32, #tpu.memory_space<vmem>>, vector<1x1024xf32>
      %get3A_32 = arith.constant 1 : index
      %get3A_33 = arith.constant 0 : index
      %get3A_34 = vector.load %arg3[%get3A_32, %get3A_33] : memref<2x1024xf32, #tpu.memory_space<vmem>>, vector<1x1024xf32>
      %broadcast_in_dim3A = arith.constant 0.000000e+00 : f32
      %broadcast_in_dim3A_35 = vector.broadcast %broadcast_in_dim3A : f32 to vector<1x1xf32>
      %slice3A = vector.extract_strided_slice %get3A_34 {offsets = [0, 0], sizes = [1, 1023], strides = [1, 1]} : vector<1x1024xf32> to vector<1x1023xf32>
      %concatenate3A_36 = tpu.concatenate %broadcast_in_dim3A_35, %slice3A in 1 : vector<1x1xf32>, vector<1x1023xf32> -> vector<1x1024xf32>
      %add3A_37 = arith.addf %get3A_31, %concatenate3A_36 : vector<1x1024xf32>
      %swap3A_38 = arith.constant 0 : index
      %swap3A_39 = arith.constant 0 : index
      %swap3A_40 = vector.load %arg2[%swap3A_38, %swap3A_39] : memref<1x1024xf32, #tpu.memory_space<vmem>>, vector<1x1024xf32>
      tpu.vector_store %arg2[%swap3A_38, %swap3A_39], %add3A_37 {strides = array<i32>} : memref<1x1024xf32, #tpu.memory_space<vmem>>, vector<1x1024xf32>,
    } else {
    }
    return
  }
  func.func @transform_0(%arg0: i32) -> (i32, i32, i32) {
    %c0_i32 = arith.constant 0 : i32
    %c0_i32_0 = arith.constant 0 : i32
    %c0_i32_1 = arith.constant 0 : i32
    return %arg0, %c0_i32, %c0_i32_0 : i32, i32, i32
  }
  func.func @transform_1(%arg0: i32) -> (i32, i32) {
    %c0_i32 = arith.constant 0 : i32
    %c0_i32_0 = arith.constant 0 : i32
    %c0_i32_1 = arith.constant 0 : i32
    return %c0_i32, %c0_i32_0 : i32, i32
  }
}

module attributes {stable_mosaic.version = 14 : i64} {
  func.func @_combine_body(%arg0: memref<1x1024xf32, #tpu.memory_space<vmem>>, %arg1: memref<32x1024xf32, #tpu.memory_space<vmem>>, %arg2: memref<4x128xf32, #tpu.memory_space<vmem>>, %arg3: memref<1000x1000xf32, #tpu.memory_space<vmem>>, %arg4: memref<1000x1000xf32, #tpu.memory_space<vmem>>, %arg5: memref<1x1xf32, #tpu.memory_space<vmem>>) attributes {dimension_semantics = [], scalar_prefetch = 0 : i64, scratch_operands = 0 : i64, tpu.core_type = #tpu.core_type<tc>} {
    %get3A = arith.constant 0 : index
    %get3A_0 = arith.constant 0 : index
    %get3A_1 = vector.load %arg0[%get3A, %get3A_0] : memref<1x1024xf32, #tpu.memory_space<vmem>>, vector<1x1024xf32>
    %slice3A = vector.extract_strided_slice %get3A_1 {offsets = [0, 0], sizes = [1, 1000], strides = [1, 1]} : vector<1x1024xf32> to vector<1x1000xf32>
    %get3A_2 = arith.constant 0 : index
    %get3A_3 = arith.constant 0 : index
    %get3A_4 = vector.load %arg1[%get3A_2, %get3A_3] : memref<32x1024xf32, #tpu.memory_space<vmem>>, vector<32x1024xf32>
    %reduce_sum3A = arith.constant dense<0.000000e+00> : vector<1024xf32>
    %reduce_sum3A_5 = vector.multi_reduction <add>, %get3A_4, %reduce_sum3A [0] : vector<32x1024xf32> to vector<1024xf32>
    %broadcast_in_dim3A = vector.shape_cast %reduce_sum3A_5 : vector<1024xf32> to vector<1x1024xf32>
    %get3A_6 = arith.constant 0 : index
    %get3A_7 = arith.constant 0 : index
    %get3A_8 = vector.load %arg2[%get3A_6, %get3A_7] : memref<4x128xf32, #tpu.memory_space<vmem>>, vector<4x128xf32>
    %reduce_sum3A_9 = vector.shape_cast %get3A_8 : vector<4x128xf32> to vector<1x4x128xf32>
    %reduce_sum3A_10 = arith.constant dense<0.000000e+00> : vector<1xf32>
    %reduce_sum3A_11 = vector.multi_reduction <add>, %reduce_sum3A_9, %reduce_sum3A_10 [1, 2] : vector<1x4x128xf32> to vector<1xf32>
    %reduce_sum3A_12 = vector.shape_cast %reduce_sum3A_11 : vector<1xf32> to vector<1x1x1xf32>
    %reduce_sum3A_13 = vector.extract %reduce_sum3A_12[0, 0, 0] : f32 from vector<1x1x1xf32>
    %slice3A_14 = vector.extract_strided_slice %broadcast_in_dim3A {offsets = [0, 0], sizes = [1, 1000], strides = [1, 1]} : vector<1x1024xf32> to vector<1x1000xf32>
    %get3A_15 = arith.constant 0 : index
    %get3A_16 = arith.constant 0 : index
    %get3A_17 = vector.load %arg3[%get3A_15, %get3A_16] : memref<1000x1000xf32, #tpu.memory_space<vmem>>, vector<1000x1000xf32>
    %dot_general3A = arith.constant dense<0.000000e+00> : vector<1x1000xf32>
    %dot_general3A_18 = tpu.matmul %slice3A_14, %get3A_17, %dot_general3A {dimension_numbers = #tpu.dot_dimension_numbers<[1], [0], [0], [1], [0, 0, 1, 1], [], []>, precision = #tpu.contract_precision<fp32>, transpose_lhs_hint = false} : vector<1x1000xf32>, vector<1000x1000xf32>, vector<1x1000xf32> -> vector<1x1000xf32>
    %get3A_19 = arith.constant 0 : index
    %get3A_20 = arith.constant 0 : index
    %get3A_21 = vector.load %arg4[%get3A_19, %get3A_20] : memref<1000x1000xf32, #tpu.memory_space<vmem>>, vector<1000x1000xf32>
    %dot_general3A_22 = arith.constant dense<0.000000e+00> : vector<1x1000xf32>
    %dot_general3A_23 = tpu.matmul %dot_general3A_18, %get3A_21, %dot_general3A_22 {dimension_numbers = #tpu.dot_dimension_numbers<[1], [0], [0], [1], [0, 0, 1, 1], [], []>, precision = #tpu.contract_precision<fp32>, transpose_lhs_hint = false} : vector<1x1000xf32>, vector<1000x1000xf32>, vector<1x1000xf32> -> vector<1x1000xf32>
    %mul3A = arith.mulf %dot_general3A_23, %slice3A : vector<1x1000xf32>
    %reduce_sum3A_24 = vector.shape_cast %mul3A : vector<1x1000xf32> to vector<1x1x1000xf32>
    %reduce_sum3A_25 = arith.constant dense<0.000000e+00> : vector<1xf32>
    %reduce_sum3A_26 = vector.multi_reduction <add>, %reduce_sum3A_24, %reduce_sum3A_25 [1, 2] : vector<1x1x1000xf32> to vector<1xf32>
    %reduce_sum3A_27 = vector.shape_cast %reduce_sum3A_26 : vector<1xf32> to vector<1x1x1xf32>
    %reduce_sum3A_28 = vector.extract %reduce_sum3A_27[0, 0, 0] : f32 from vector<1x1x1xf32>
    %div3A = arith.constant 1.638400e+04 : f32
    %div3A_29 = arith.divf %reduce_sum3A_28, %div3A : f32
    %add3A = arith.constant 1.000000e-10 : f32
    %add3A_30 = arith.addf %div3A_29, %add3A : f32
    %div3A_31 = arith.divf %reduce_sum3A_13, %add3A_30 : f32
    %log3A = math.log %div3A_31 : f32
    %reshape3A = vector.broadcast %log3A : f32 to vector<1x1xf32>
    %swap3A = arith.constant 0 : index
    %swap3A_32 = arith.constant 0 : index
    %swap3A_33 = vector.load %arg5[%swap3A, %swap3A_32] : memref<1x1xf32, #tpu.memory_space<vmem>>, vector<1x1xf32>
    tpu.vector_store %arg5[%swap3A, %swap3A_32], %reshape3A {strides = array<i32>} : memref<1x1xf32, #tpu.memory_space<vmem>>, vector<1x1xf32>,
    return
  }
}

</mosaic_0001>

<sc_bundles>
// kernel: kernel.5.cloned.1.call-start
scs
__scs_entry_jumppad:
0x0: {  	(pc) =	sbr.rel $0x88, $3  }
0x1: {  	(tag) =	ssettag $0x0;
	lr =	simm.s32 $0x1  }
0x2: {  	[smem:$0x3F9D] =	sst lr;
	_ =	strace $0xD0000000  }
0x3: {  	_ = 	snop  }
0x4: {  	_ = 	snop  }
0x5: {  	_ = 	snop  }
0x6: {  	_ = 	snop  }
0x7: {  	_ = 	snop  }
__scs_overlays_trampoline_lowered:
0x8: {  	[smem:$0x3FAC] =	sst s0  }
0x9: {  	[smem:$0x3FAD] =	sst s1  }
0xa: {  	[smem:$0x3FAE] =	sst s2  }
0xb: {  	[smem:$0x3FAF] =	sst s3  }
0xc: {  	[smem:$0x3FB0] =	sst s4  }
0xd: {  	[smem:$0x3FB1] =	sst s5  }
0xe: {  	[smem:$0x3FB2] =	sst s6  }
0xf: {  	[smem:$0x3FB3] =	sst s7  }
0x10: {  	[smem:$0x3FB4] =	sst s8  }
0x11: {  	[smem:$0x3FB5] =	sst s9;
	s0 =	simm.s32 @!p0 $0x0  }
0x12: {  	s1 =	sld [smem:$0x3F9B];
	s0 =	simm.s32 @p0 $0x1  }
0x13: {  	[smem:$0x3FB6] =	sst s0;
	s0 =	simm.s32 @!p1 $0x0  }
0x14: {  	s2 =	sld [smem:$0x3F9A];
	s0 =	simm.s32 @p1 $0x1  }
0x15: {  	[smem:$0x3FB7] =	sst s0;
	s0 =	simm.s32 @!p2 $0x0  }
0x16: {  	s3 =	sld [smem:$0x3FDB];
	s0 =	simm.s32 @p2 $0x1  }
0x17: {  	s4 =	simm.s32 $0x1BF5;
	[smem:$0x3FB9] =	sst s0  }
0x18: {  	s0 =	sld [smem:$0x3F9C];
	_ =	swait.ge [sflag:s4], $0x0  }
0x19: {  	s7 =	sld [smem:$0x3F9D]  }
0x1a: {  	s8 =	sadd.s32 $0xFFFFE003, lr  }
0x1b: {  	s9 =	sadd.s32 $0xFFFFFEF7, lr;
	s5 =	simm.s32 $0xFFFFFFFF;
	p2 =	slt.u32 s8, $0xFFFFF086  }
0x1c: {  	p1 =	slt.u32 s9, $0xF7A;
	s5 =	simm.s32 @!p2 $0x0  }
0x1d: {  	s5 =	simm.s32 @p1 $0x1;
	p0 =	seq.s32 s7, s2  }
0x1e: {  	s7 =	smul.u32 @!p0 $0xF7A, s2;
	p2 =	seq.s32 @!p0 s5, $0x0  }
0x1f: {  	s9 =	smul.u32 $0xF7A, s1;
	s8 =	simm.s32 @!p0 $0x1BF5;
	p2 =	por !p2, p0  }
0x20: {  	[sflag:s8] =	ssyncset.s32 @!p0 $0xFFFFF086;
	s6 =	sadd.s32 @!p0 s3, s7;
	s7 =	simm.s32 @!p0 $0x108  }
0x21: {  	s3 =	sadd.s32 s3, s9;
	s6 =	sadd.s32 @!p0 $0x88, s6;
	s7 =	simm.s32 @p2 $0x1082  }
0x22: {  	[simem:s7], [sflag:s8] =	dma.local @!p0 [hbm:s6], $0xF7A  }
0x23: {  	s9 =	sor.u32 $0xD0000000, s2;
	s6 =	simm.s32 $0x108;
	_ =	swait.ge @!p0 [sflag:s8], $0x0  }
0x24: {  	s3 =	sadd.s32 $0x88, s3;
	s6 =	simm.s32 @!p1 $0x1082;
	[sflag:s4] =	ssyncset.s32 $0xFFFFF086  }
0x25: {  	[simem:s6], [sflag:s4] =	dma.local [hbm:s3], $0xF7A  }
0x26: {  	[smem:$0x3F9D] =	sst s1;
	(tag) =	ssettag s2;
	_ =	strace s9  }
0x27: {  	s1 =	sld [smem:$0x3FAD]  }
0x28: {  	s2 =	sld [smem:$0x3FAE]  }
0x29: {  	s4 =	sld [smem:$0x3FB0]  }
0x2a: {  	p0 =	seq.s32 s5, $0x0;
	s5 =	sld [smem:$0x3FB1]  }
0x2b: {  	s6 =	sld [smem:$0x3FB2]  }
0x2c: {  	s7 =	sld [smem:$0x3FB3]  }
0x2d: {  	s3 =	simm.s32 $0x108;
	s8 =	sld [smem:$0x3FB4]  }
0x2e: {  	s3 =	simm.s32 @!p0 $0x1082;
	s9 =	sld [smem:$0x3FB5]  }
0x2f: {  	lr =	sadd.s32 s0, s3;
	s0 =	sld [smem:$0x3FAC]  }
0x30: {  	s3 =	sld [smem:$0x3FAF]  }
0x31: {  	[smem:$0x3FB8] =	sst s10  }
0x32: {  	s10 =	sld [smem:$0x3FB6];
	_ =	sdelay $0x3  }
0x33: {  	p0 =	seq.s32 s10, $0x1;
	s10 =	sld [smem:$0x3FB8];
	_ =	sdelay $0x3  }
0x34: {  	[smem:$0x3FB8] =	sst s10  }
0x35: {  	s10 =	sld [smem:$0x3FB7];
	_ =	sdelay $0x3  }
0x36: {  	p1 =	seq.s32 s10, $0x1;
	s10 =	sld [smem:$0x3FB8];
	_ =	sdelay $0x3  }
0x37: {  	[smem:$0x3FB8] =	sst s10  }
0x38: {  	s10 =	sld [smem:$0x3FB9]  }
0x39: {  	_ = 	snop;
	(pc) =	sbr.ind lr, $3  }
0x3a: {  	_ = 	snop  }
0x3b: {  	_ = 	snop  }
0x3c: {  	p2 =	seq.s32 s10, $0x1;
	s10 =	sld [smem:$0x3FB8]  }
0x3d: {  	_ =	shalt  }
0x3e: {  	_ =	shalt  }
0x3f: {  	_ =	shalt  }
0x40: {  	_ =	shalt  }
0x41: {  	_ =	shalt  }
0x42: {  	_ =	shalt  }
0x43: {  	_ =	shalt  }
0x44: {  	_ =	shalt  }
0x45: {  	_ =	shalt  }
0x46: {  	_ =	shalt  }
0x47: {  	_ =	shalt  }
0x48: {  	_ =	shalt  }
0x49: {  	_ =	shalt  }
0x4a: {  	_ =	shalt  }
0x4b: {  	_ =	shalt  }
0x4c: {  	_ =	shalt  }
0x4d: {  	_ =	shalt  }
0x4e: {  	_ =	shalt  }
0x4f: {  	_ =	shalt  }
0x50: {  	_ =	shalt  }
0x51: {  	_ =	shalt  }
0x52: {  	_ =	shalt  }
0x53: {  	_ =	shalt  }
0x54: {  	_ =	shalt  }
0x55: {  	_ =	shalt  }
0x56: {  	_ =	shalt  }
0x57: {  	_ =	shalt  }
0x58: {  	_ =	shalt  }
0x59: {  	_ =	shalt  }
0x5a: {  	_ =	shalt  }
0x5b: {  	_ =	shalt  }
0x5c: {  	_ =	shalt  }
0x5d: {  	_ =	shalt  }
0x5e: {  	_ =	shalt  }
0x5f: {  	_ =	shalt  }
0x60: {  	_ =	shalt  }
0x61: {  	_ =	shalt  }
0x62: {  	_ =	shalt  }
0x63: {  	_ =	shalt  }
0x64: {  	_ =	shalt  }
0x65: {  	_ =	shalt  }
0x66: {  	_ =	shalt  }
0x67: {  	_ =	shalt  }
0x68: {  	_ =	shalt  }
0x69: {  	_ =	shalt  }
0x6a: {  	_ =	shalt  }
0x6b: {  	_ =	shalt  }
0x6c: {  	_ =	shalt  }
0x6d: {  	_ =	shalt  }
0x6e: {  	_ =	shalt  }
0x6f: {  	_ =	shalt  }
0x70: {  	_ =	shalt  }
0x71: {  	_ =	shalt  }
0x72: {  	_ =	shalt  }
0x73: {  	_ =	shalt  }
0x74: {  	_ =	shalt  }
0x75: {  	_ =	shalt  }
0x76: {  	_ =	shalt  }
0x77: {  	_ =	shalt  }
0x78: {  	_ =	shalt  }
0x79: {  	_ =	shalt  }
0x7a: {  	_ =	shalt  }
0x7b: {  	_ =	shalt  }
0x7c: {  	_ =	shalt  }
0x7d: {  	_ =	shalt  }
0x7e: {  	_ =	shalt  }
0x7f: {  	_ =	shalt  }
0x80: {  	_ =	shalt  }
0x81: {  	_ =	shalt  }
0x82: {  	_ =	shalt  }
0x83: {  	_ =	shalt  }
0x84: {  	_ =	shalt  }
0x85: {  	_ =	shalt  }
0x86: {  	_ =	shalt  }
0x87: {  	_ =	shalt  }
.Lfunc_end0:
.L_simem_size_0:
called_computation_lowered:
.L_overlay_start_0:
0x88: {  	s2 =	sld [smem:$0x3FD9]  }
0x89: {  	s3 =	sld [smem:$0x3FFE];
	_ =	sdelay $0x1  }
0x8a: {  	s1 =	srdreg.scid  }
0x8b: {  	s0 =	sand.u32 $0x1, s1  }
0x8c: {  	s17 =	sshll.u32 s0, $0xA;
	s2 =	sadd.s32 s3, s2  }
0x8d: {  	s2 =	sadd.s32 s2, s17  }
0x8e: {  	[smem:$0x3FC4] =	sst s2  }
0x8f: {  	_ = 	snop  }
0x90: {  	s2 =	sld [smem:$0x3FC9]  }
0x91: {  	s18 =	sld [smem:$0x3FC8];
	(tm) =	ssettm $0x1  }
0x92: {  	s4 =	sld [smem:$0x3FFB];
	_ =	sdelay $0x3  }
0x93: {  	_ =	strace s4  }
0x94: {  	s4 =	sld [smem:$0x3FFC];
	_ =	sdelay $0x3  }
0x95: {  	_ =	strace s4  }
0x96: {  	s4 =	sld [smem:$0x3FFD];
	_ =	sdelay $0x3  }
0x97: {  	_ =	strace s4  }
0x98: {  	_ =	strace $0x8FFFFFFF  }
0x99: {  	s19 =	sld [smem:$0x3FDB];
	_ =	sdelay $0x1  }
0x9a: {  	s5 =	simm.s32 $_scs_section_size  }
0x9b: {  	s6 =	simm.s32 $_size__tile_overlayer_lowered;
	s7 =	simm.s32 $_tile_overlayer_lowered  }
0x9c: {  	s22 =	simm.s32 $0x1BFF;
	s21 =	sshll.u32 s7, $0x1;
	s4 =	sadd.s32 s5, s19  }
0x9d: {  	s8 =	simm.s32 $0x0;
	s20 =	sshll.u32 s6, $0x1;
	s6 =	sadd.s32 s21, s4  }
0x9e: {  	[timem:s8], [sflag:s22] =	dma.local [hbm:s6], s20  }
0x9f: {  	_ =	swait.ge [sflag:s22], s20  }
0xa0: {  	s5 =	ssub.s32 $0x0, s20;
	[sflag:s22] =	ssyncset.done $0x0  }
0xa1: {  	[sflag:s22] =	ssyncadd.s32 s5;
	_ =	sdelay $0x1  }
0xa2: {  	s23 =	simm.s32 $0x1B8B  }
0xa3: {  	_ =	swait.ge [sflag:s23], $0x1  }
0xa4: {  	[sflag:s23] =	ssyncset.done $0x0  }
0xa5: {  	s25 =	simm.s32 $0x1B8E;
	s24 =	sld [smem:$0x3FFE];
	[sflag:s23] =	ssyncadd.s32 $0xFFFFFFFF  }
0xa6: {  	s26 =	simm.s32 $execute0_lowered;
	[smem:$0x3FD2] =	sst s25  }
0xa7: {  	s6 =	sshll.u32 s26, $0x1;
	_ =	strace $0x80000046;
	[dreg:$0x1] =	wrdreg $0xFFFFFFFF  }
0xa8: {  	s28 =	simm.s32 $_size_execute0_lowered;
	s4 =	sadd.s32 s4, s6;
	[dreg:$0x0] =	wrdreg $0x0  }
0xa9: {  	s6 =	sshll.u32 s28, $0x1;
	[dreg:$0x2] =	wrdreg s4  }
0xaa: {  	[dreg:$0x3] =	wrdreg s6  }
0xab: {  	[dreg:$0x4] =	wrdreg $0xC0  }
0xac: {  	_ =	task [dreg:s8], $0x5FFFF  }
0xad: {  	[dreg:$0x1] =	wrdreg $0xFFFFFFFF  }
0xae: {  	[dreg:$0x0] =	wrdreg $0x60  }
0xaf: {  	[dreg:$0x2] =	wrdreg s2  }
0xb0: {  	[dreg:$0x3] =	wrdreg s18  }
0xb1: {  	[dreg:$0x4] =	wrdreg s24  }
0xb2: {  	[dreg:$0x5] =	wrdreg $0x9  }
0xb3: {  	_ =	task.clear_ibuf [dreg:s8], $0x6FFFF;
	_ =	strace $0x90000046  }
0xb4: {  	s29 =	simm.s32 $0x9;
	_ =	strace $0x80000048  }
0xb5: {  	_ =	swait.ge [sflag:s29], $0x1  }
0xb6: {  	[sflag:s29] =	ssyncadd.s32 $0xFFFFFFFF  }
0xb7: {  	_ =	strace $0x90000048  }
0xb8: {  	_ =	sfence  }
0xb9: {  	s30 =	sld [smem:$0x0];
	_ =	sdelay $0x2  }
0xba: {  	s31 =	sshll.u32 s1, $0xD;
	s1 =	sshrl.u32 s1, $0x2  }
0xbb: {  	s3 =	sand.u32 $0x4000, s31;
	s1 =	sadd.s32 s1, s30  }
0xbc: {  	s0 =	sor.u32 s3, s0;
	s1 =	sshll.u32 s1, $0x11  }
0xbd: {  	s0 =	sor.u32 s1, s0  }
0xbe: {  	s0 =	sadd.s32 $0x8F2B, s0  }
0xbf: {  	[sflag:s0] =	ssyncadd.remote.s32 $0x1  }
0xc0: {  	_ =	sfence.sel $0xFFFF  }
0xc1: {  	[dreg:$0x0] =	wrdreg $0xFFFFFFFF;
	(pc) =	sbr.abs _section_cstart, $3  }
0xc2: {  	[dreg:$0x1] =	wrdreg $0xFFFFFFFF  }
0xc3: {  	_ =	task.clear_ibuf [dreg:s8], $0x2FFFF;
	_ =	strace $0x9FFFFFFF  }
0xc4: {  	(tm) =	ssettm $0x7FFFFFFF  }
0xc5: {  	_ =	shalt  }
tec
execute0_lowered:
.L_overlay_start_1:
0x0: {  	(tag) =	ssettag $0x1  }
0x1: {  	s3 =	rddreg [dreg:$0x0]  }
0x2: {  	s4 =	rddreg [dreg:$0x1]  }
0x3: {  	s5 =	rddreg [dreg:$0x2]  }
0x4: {  	s0 =	rddreg [dreg:$0x3]  }
0x5: {  	s6 =	srdreg.scid;
	s1 =	stileid.u32;
	s2 =	simm.s32 $0x0  }
0x6: {  	s11 =	simm.s32 $0x4400;
	s12 =	simm.s32 $0x4800;
	s13 =	simm.s32 $0x0  }
0x7: {  	s6 =	sand.u32 $0x1, s6;
	s7 =	sshll.u32 s1, $0x1;
	[smem:$0x7FF] =	sst s2  }
0x8: {  	s7 =	sor.u32 s6, s7;
	_ =	strace $0x80000047;
	s6 =	ssub.s32 $0x2, s6  }
0x9: {  	s8 =	sshll.u32 s7, $0x7;
	s9 =	sshll.u32 s7, $0x1;
	s31 =	sshrl.u32 s6, $0x1  }
0xa: {  	s7 =	sshll.u32 s7, $0x6;
	s8 =	sadd.s32 s8, s5;
	s9 =	sadd.s32 s9, s5  }
0xb: {  	s10 =	ssub.s32 s6, s31;
	s3 =	sadd.s32 s3, s7;
	s4 =	sadd.s32 s4, s7  }
0xc: {  	v0 =	vlaneseq.u32;
	s5 =	sadd.s32 $0x1000, s8;
	s6 =	sadd.s32 $0x2000, s9;
	s7 =	smax.u32 s10, $0x1  }
0xd: {  	v1 =	vimm.f32 $1.000000000e+00;
	v0 =	vmul.u32 $0x400, v0;
	s8 =	simm.s32 $0x1;
	s9 =	simm.s32 $0x200;
	s10 =	simm.s32 $0x400  }
.LBB2_1:
0xe: {  	[tilespmem:s2], [sflag:$0x1] =	stream.linear.gather [hbm4b:s3+s2], $0x200, $0x38;
	[tilespmem:$0x4810] =	vst v63  }
0xf: {  	_ =	swait.ge [sflag:s8], $0x200  }
0x10: {  	[sflag:s8] =	ssyncset.done $0x0  }
0x11: {  	[sflag:s8] =	ssyncadd.s32 $0xFFFFFE00  }
0x12: {  	[tilespmem:s9], [sflag:$0x1] =	stream.linear.gather [hbm4b:s4+s2], $0x200, $0x38;
	[tilespmem:$0x4810] =	vst v63  }
0x13: {  	_ =	swait.ge [sflag:s8], $0x200  }
0x14: {  	[sflag:s8] =	ssyncset.done $0x0  }
0x15: {  	s14 =	simm.s32 $0xFFFFFC00;
	v2 =	vimm.f32 $0.0e+00;
	s15 =	simm.s32 $0xFFFFF040;
	[sflag:s8] =	ssyncadd.s32 $0xFFFFFE00  }
.LBB2_2:
0x16: {  	p0 =	sne.s32 s15, $0xFFFFFFC0;
	[tilespmem:s14+$0x4400] =	vst v2  }
0x17: {  	[tilespmem:s14+$0x800] =	vst v2  }
0x18: {  	[tilespmem:s14+$0xC00] =	vst v2  }
0x19: {  	[tilespmem:s14+$0x1000] =	vst v2  }
0x1a: {  	[tilespmem:s14+$0x1400] =	vst v2  }
0x1b: {  	[tilespmem:s14+$0x1800] =	vst v2  }
0x1c: {  	[tilespmem:s14+$0x1C00] =	vst v2  }
0x1d: {  	[tilespmem:s14+$0x2000] =	vst v2  }
0x1e: {  	[tilespmem:s14+$0x2400] =	vst v2  }
0x1f: {  	[tilespmem:s14+$0x2800] =	vst v2  }
0x20: {  	[tilespmem:s14+$0x2C00] =	vst v2  }
.Ltmp0:
0x21: {  	[tilespmem:s14+$0x3000] =	vst v2;
	(pc) =	sbr.rel @p0 .LBB2_2-.Ltmp0, $4  }
0x22: {  	[tilespmem:s14+$0x3400] =	vst v2  }
0x23: {  	[tilespmem:s14+$0x3800] =	vst v2  }
0x24: {  	[tilespmem:s14+$0x3C00] =	vst v2  }
0x25: {  	[tilespmem:s14+$0x4000] =	vst v2;
	s14 =	sshra.s32 s15, $0x2;
	s15 =	sadd.s32 $0x40, s15  }
0x26: {  	[tilespmem:s14+$0x4400] =	vst v2  }
0x27: {  	[tilespmem:s14+$0x800] =	vst v2  }
0x28: {  	[tilespmem:s14+$0xC00] =	vst v2  }
0x29: {  	[tilespmem:s14+$0x1000] =	vst v2  }
0x2a: {  	[tilespmem:s14+$0x1400] =	vst v2  }
0x2b: {  	[tilespmem:s14+$0x1800] =	vst v2  }
0x2c: {  	[tilespmem:s14+$0x1C00] =	vst v2  }
0x2d: {  	[tilespmem:s14+$0x2000] =	vst v2  }
0x2e: {  	[tilespmem:s14+$0x2400] =	vst v2  }
0x2f: {  	[tilespmem:s14+$0x2800] =	vst v2  }
0x30: {  	[tilespmem:s14+$0x2C00] =	vst v2  }
0x31: {  	[tilespmem:s14+$0x3000] =	vst v2  }
0x32: {  	[tilespmem:s14+$0x3400] =	vst v2  }
0x33: {  	[tilespmem:s14+$0x3800] =	vst v2  }
0x34: {  	[tilespmem:s14+$0x3C00] =	vst v2  }
0x35: {  	[tilespmem:s14+$0x4000] =	vst v2;
	s16 =	simm.s32 $0x0  }
0x36: {  	v4 =	vld [tilespmem:s16+$0x200];
	_ =	sdelay $0x4  }
0x37: {  	v3 =	vcvt.s32.f32 v4;
	v4 =	vadd.s32 v0, v4;
	_ =	sdelay $0x3  }
0x38: {  	s14 =	simm.s32 $0x40;
	s15 =	simm.s32 $0x80;
	v5 =	vld [tilespmem:s16+$0x0]  }
.LBB2_4:
0x39: {  	p0 =	sne.s32 s15, $0x7C0;
	s16 =	sshra.s32 s14, $0x2;
	[tilespmem:v4+s10+$0x0] =	vst.idx.add.f32.msk $0xffff, v1;
	s14 =	smov.u32 s15  }
0x3a: {  	v4 =	vld [tilespmem:s16+$0x200];
	_ =	sdelay $0x2  }
0x3b: {  	v5 =	vsub.f32 v5, v3;
	_ =	sdelay $0x1  }
.Ltmp1:
0x3c: {  	v3 =	vcvt.s32.f32 v4;
	v4 =	vadd.s32 v0, v4;
	v5 =	vmul.f32 v5, v5;
	(pc) =	sbr.rel @p0 .LBB2_4-.Ltmp1, $3  }
0x3d: {  	_ = 	snop  }
0x3e: {  	v2 =	vadd.f32 v5, v2;
	_ =	sdelay $0x1  }
0x3f: {  	s15 =	sadd.s32 $0x40, s15;
	v5 =	vld [tilespmem:s16+$0x0]  }
0x40: {  	_ =	sdelay $0x3  }
0x41: {  	s14 =	sshra.s32 s14, $0x2;
	[tilespmem:v4+s10+$0x0] =	vst.idx.add.f32.msk $0xffff, v1  }
0x42: {  	v4 =	vld [tilespmem:s14+$0x200];
	_ =	sdelay $0x1  }
0x43: {  	v6 =	vld [tilespmem:s14+$0x0];
	_ =	sdelay $0x2  }
0x44: {  	v3 =	vsub.f32 v5, v3;
	v5 =	vcvt.s32.f32 v4;
	_ =	sdelay $0x1  }
0x45: {  	v4 =	vadd.s32 v0, v4;
	v3 =	vmul.f32 v3, v3;
	v5 =	vsub.f32 v6, v5;
	_ =	sdelay $0x1  }
0x46: {  	v2 =	vadd.f32 v3, v2;
	v3 =	vmul.f32 v5, v5;
	_ =	sdelay $0x1  }
0x47: {  	v2 =	vadd.f32 v3, v2  }
0x48: {  	[tilespmem:v4+s10+$0x0] =	vst.idx.add.f32.msk $0xffff, v1  }
0x49: {  	s15 =	simm.s32 $0x0;
	[tilespmem:$0x4800] =	vst v2  }
0x4a: {  	v2 =	vld [tilespmem:s15+$0x400]  }
0x4b: {  	v3 =	vld [tilespmem:s15+$0x800];
	_ =	sdelay $0x1  }
0x4c: {  	v4 =	vld [tilespmem:s15+$0xC00];
	_ =	sdelay $0x1  }
0x4d: {  	v5 =	vld [tilespmem:s15+$0x1000]  }
0x4e: {  	v2 =	vadd.f32 v3, v2  }
0x4f: {  	v3 =	vld [tilespmem:s15+$0x1400]  }
0x50: {  	v2 =	vadd.f32 v4, v2  }
0x51: {  	v4 =	vld [tilespmem:s15+$0x1800]  }
0x52: {  	v2 =	vadd.f32 v5, v2  }
0x53: {  	v5 =	vld [tilespmem:s15+$0x1C00]  }
0x54: {  	v2 =	vadd.f32 v3, v2  }
0x55: {  	v3 =	vld [tilespmem:s15+$0x2000]  }
0x56: {  	s14 =	simm.s32 $0x10;
	v6 =	vld [tilespmem:s15+$0x2400];
	v2 =	vadd.f32 v4, v2  }
0x57: {  	v7 =	vld [tilespmem:s14+$0x400]  }
0x58: {  	v4 =	vld [tilespmem:s15+$0x2800];
	v2 =	vadd.f32 v5, v2  }
0x59: {  	v5 =	vld [tilespmem:s14+$0x800]  }
0x5a: {  	v8 =	vld [tilespmem:s14+$0xC00];
	v2 =	vadd.f32 v3, v2  }
0x5b: {  	v3 =	vld [tilespmem:s15+$0x2C00]  }
0x5c: {  	v9 =	vld [tilespmem:s14+$0x1000];
	v2 =	vadd.f32 v6, v2  }
0x5d: {  	v6 =	vld [tilespmem:s15+$0x3000]  }
0x5e: {  	v5 =	vadd.f32 v5, v7;
	v7 =	vld [tilespmem:s14+$0x1400];
	v2 =	vadd.f32 v4, v2  }
0x5f: {  	v4 =	vld [tilespmem:s15+$0x3400]  }
0x60: {  	v5 =	vadd.f32 v8, v5;
	v8 =	vld [tilespmem:s14+$0x1800];
	v2 =	vadd.f32 v3, v2  }
0x61: {  	v3 =	vld [tilespmem:s15+$0x3800]  }
0x62: {  	v10 =	vld [tilespmem:s14+$0x1C00];
	v5 =	vadd.f32 v9, v5;
	v2 =	vadd.f32 v6, v2  }
0x63: {  	v9 =	vld [tilespmem:s15+$0x3C00]  }
0x64: {  	v6 =	vadd.f32 v7, v5;
	v5 =	vld [tilespmem:s14+$0x2000];
	v7 =	vadd.f32 v4, v2  }
0x65: {  	v4 =	vld [tilespmem:s15+$0x4000]  }
0x66: {  	v2 =	vld [tilespmem:s14+$0x2800];
	v8 =	vadd.f32 v8, v6;
	v11 =	vadd.f32 v3, v7  }
0x67: {  	s16 =	simm.s32 $0x20;
	v6 =	vld [tilespmem:s14+$0x2400]  }
0x68: {  	s17 =	simm.s32 $0xC0;
	v3 =	vld [tilespmem:s16+$0x400];
	v7 =	vadd.f32 v10, v8;
	v8 =	vadd.f32 v9, v11  }
.LBB2_6:
0x69: {  	p0 =	sne.s32 s17, $0xFC0;
	v9 =	vld [tilespmem:s16+$0x800]  }
0x6a: {  	v5 =	vadd.f32 v5, v7;
	v7 =	vld [tilespmem:s14+$0x2C00];
	v4 =	vadd.f32 v4, v8  }
0x6b: {  	v8 =	vld [tilespmem:s16+$0xC00]  }
0x6c: {  	v5 =	vadd.f32 v6, v5;
	v6 =	vld [tilespmem:s14+$0x3000];
	[tilespmem:s15+$0x4400] =	vst v4;
	s15 =	smov.u32 s14;
	s14 =	smov.u32 s16  }
0x6d: {  	v4 =	vld [tilespmem:s14+$0x1000]  }
0x6e: {  	v3 =	vadd.f32 v9, v3;
	v2 =	vadd.f32 v2, v5;
	v5 =	vld [tilespmem:s15+$0x3400]  }
0x6f: {  	v9 =	vld [tilespmem:s14+$0x1400]  }
0x70: {  	v3 =	vadd.f32 v8, v3;
	v2 =	vadd.f32 v7, v2;
	v7 =	vld [tilespmem:s15+$0x3800]  }
0x71: {  	v8 =	vld [tilespmem:s14+$0x1800]  }
0x72: {  	v3 =	vadd.f32 v4, v3;
	v2 =	vadd.f32 v6, v2;
	v10 =	vld [tilespmem:s15+$0x3C00]  }
0x73: {  	v11 =	vld [tilespmem:s14+$0x1C00]  }
.Ltmp2:
0x74: {  	v3 =	vadd.f32 v9, v3;
	v6 =	vadd.f32 v5, v2;
	v4 =	vld [tilespmem:s15+$0x4000];
	(pc) =	sbr.rel @p0 .LBB2_6-.Ltmp2, $4  }
0x75: {  	v5 =	vld [tilespmem:s14+$0x2000]  }
0x76: {  	v8 =	vadd.f32 v8, v3;
	v2 =	vld [tilespmem:s14+$0x2800];
	v9 =	vadd.f32 v7, v6  }
0x77: {  	s16 =	sshra.s32 s17, $0x2;
	v6 =	vld [tilespmem:s14+$0x2400]  }
0x78: {  	s17 =	sadd.s32 $0x40, s17;
	v3 =	vld [tilespmem:s16+$0x400];
	v7 =	vadd.f32 v11, v8;
	v8 =	vadd.f32 v10, v9  }
0x79: {  	v9 =	vld [tilespmem:s16+$0x800]  }
0x7a: {  	v10 =	vld [tilespmem:s14+$0x2C00];
	v4 =	vadd.f32 v4, v8  }
0x7b: {  	v49 =	vld [tilespmem:s16+$0xC00]  }
0x7c: {  	v11 =	vld [tilespmem:s14+$0x3000];
	v5 =	vadd.f32 v5, v7;
	[tilespmem:s15+$0x4400] =	vst v4  }
0x7d: {  	v4 =	vld [tilespmem:s16+$0x1000]  }
0x7e: {  	v5 =	vadd.f32 v6, v5;
	v3 =	vadd.f32 v9, v3  }
0x7f: {  	v50 =	vld [tilespmem:s16+$0x1400]  }
0x80: {  	v51 =	vld [tilespmem:s14+$0x3400];
	v2 =	vadd.f32 v2, v5;
	v3 =	vadd.f32 v49, v3  }
0x81: {  	v52 =	vld [tilespmem:s16+$0x1800]  }
0x82: {  	v53 =	vld [tilespmem:s14+$0x3800];
	v2 =	vadd.f32 v10, v2;
	v3 =	vadd.f32 v4, v3  }
0x83: {  	v54 =	vld [tilespmem:s16+$0x1C00]  }
0x84: {  	v55 =	vld [tilespmem:s14+$0x3C00];
	v2 =	vadd.f32 v11, v2;
	v3 =	vadd.f32 v50, v3  }
0x85: {  	v56 =	vld [tilespmem:s16+$0x2000]  }
0x86: {  	v57 =	vld [tilespmem:s14+$0x4000];
	v2 =	vadd.f32 v51, v2;
	v3 =	vadd.f32 v52, v3  }
0x87: {  	v58 =	vld [tilespmem:s16+$0x2400]  }
0x88: {  	v2 =	vadd.f32 v53, v2;
	v3 =	vadd.f32 v54, v3  }
0x89: {  	v59 =	vld [tilespmem:s16+$0x2800]  }
0x8a: {  	v2 =	vadd.f32 v55, v2;
	v3 =	vadd.f32 v56, v3  }
0x8b: {  	v60 =	vld [tilespmem:s16+$0x2C00]  }
0x8c: {  	v2 =	vadd.f32 v57, v2;
	v3 =	vadd.f32 v58, v3  }
0x8d: {  	v61 =	vld [tilespmem:s16+$0x3000]  }
0x8e: {  	[tilespmem:s14+$0x4400] =	vst v2;
	v2 =	vadd.f32 v59, v3  }
0x8f: {  	v3 =	vld [tilespmem:s16+$0x3400]  }
0x90: {  	v2 =	vadd.f32 v60, v2  }
0x91: {  	v62 =	vld [tilespmem:s16+$0x3800]  }
0x92: {  	v2 =	vadd.f32 v61, v2  }
0x93: {  	v63 =	vld [tilespmem:s16+$0x3C00]  }
0x94: {  	v2 =	vadd.f32 v3, v2  }
0x95: {  	v3 =	vld [tilespmem:s16+$0x4000]  }
0x96: {  	v2 =	vadd.f32 v62, v2;
	_ =	sdelay $0x1  }
0x97: {  	v2 =	vadd.f32 v63, v2;
	_ =	sdelay $0x1  }
0x98: {  	v2 =	vadd.f32 v3, v2;
	_ =	sdelay $0x1  }
0x99: {  	[tilespmem:s16+$0x4400] =	vst v2  }
0x9a: {  	[hbm4b:s5+s2] =	stream.linear.scatter [tilespmem:s11], [sflag:$0x1], $0x400, $0x38;
	[tilespmem:$0x4810] =	vst v63  }
0x9b: {  	s13 =	sadd.s32 $0x1, s13;
	_ =	swait.ge [sflag:s8], $0x400  }
0x9c: {  	p0 =	sne.s32 s13, s7;
	[sflag:s8] =	ssyncset.done $0x0  }
.Ltmp3:
0x9d: {  	[sflag:s8] =	ssyncadd.s32 $0xFFFFFC00;
	(pc) =	sbr.rel @p0 .LBB2_1-.Ltmp3, $4  }
0x9e: {  	[hbm4b:s6+s2] =	stream.linear.scatter [tilespmem:s12], [sflag:$0x1], $0x10, $0x38;
	[tilespmem:$0x4810] =	vst v63  }
0x9f: {  	_ =	swait.ge [sflag:s8], $0x10  }
0xa0: {  	[sflag:s8] =	ssyncset.done $0x0  }
0xa1: {  	[sflag:s8] =	ssyncadd.s32 $0xFFFFFFF0  }
0xa2: {  	_ =	sfence.sel $0x180000  }
0xa3: {  	[bflag:$0x0] =	sbarrier.arrive $0xFFFF  }
0xa4: {  	p0 =	sne.s32 s1, $0x0;
	_ =	strace $0x90000047  }
0xa5: {  	s0 =	sadd.s32 @!p0 $0x100000, s0;
	[bflag:$0x2] =	sbarrier.arrive $0xFFFF  }
0xa6: {  	[sflag:s0] =	ssyncadd.tile.s32 @!p0 $0x1;
	_ =	shalt  }
.Lfunc_end2:
_tile_overlayer_lowered:
.L_overlay_start_2:
0xa7: {  	(tag) =	ssettag $0x2  }
0xa8: {  	s0 =	rddreg [dreg:$0x0];
	s2 =	stileid.u32  }
0xa9: {  	s1 =	rddreg [dreg:$0x1];
	p0 =	sne.s32 s2, $0x0  }
0xaa: {  	s3 =	rddreg [dreg:$0x2];
	[bflag:$0x3] =	sbarrier.arrive $0xFFFF;
	s2 =	simm.s32 @!p0 $0x1C01  }
0xab: {  	[timem:s3], [sflag:s2] =	dma.local @!p0 [hbm:s0], s1  }
0xac: {  	s0 =	simm.s32 @!p0 $0x1  }
0xad: {  	_ =	swait.ge @!p0 [sflag:s0], s1  }
0xae: {  	s1 =	ssub.s32 @!p0 $0x0, s1;
	[sflag:s0] =	ssyncset.done @!p0 $0x0  }
0xaf: {  	[sflag:s0] =	ssyncadd.s32 @!p0 s1  }
0xb0: {  	[bflag:$0x3] =	sbarrier.arrive $0xFFFF  }
0xb1: {  	_ =	shalt  }

</sc_bundles>
